<compile_context>
chip_gen: v7x
topology: tpu7x:2x2x1
jax: 0.10.2.dev20260603
libtpu: 0.0.44.dev20260713+nightly
codegen_flags: <defaults>
</compile_context>

<pallas_src>
import jax
import jax.numpy as jnp
from jax import lax
from jax.experimental import pallas as pl
from jax.experimental.pallas import tpu as pltpu
from jax.experimental.pallas import tpu_sc as plsc

_V = 100000
_D = 128
_B = 4096
_L = 200
_N = _B * _L

_NC = 2
_NS = 16
_NW = _NC * _NS
_ROWS_W = _B // _NW
_ROWS_CH = 32
_LANES = 16

_BR = 25600
_NSTEP = 4
_V_PAD = _BR * _NSTEP


def _mlp_body(emb_ref, w1_ref, b1_ref, w2_ref, b2_ref, out_ref):
    ht = jax.lax.dot_general(
        w1_ref[...], emb_ref[...], (((0,), (1,)), ((), ())),
        preferred_element_type=jnp.float32,
    )
    ht = jnp.maximum(ht + b1_ref[...], 0.0)
    s = jax.lax.dot_general(
        w2_ref[...], ht, (((0,), (0,)), ((), ())),
        preferred_element_type=jnp.float32,
    )
    out_ref[...] = (s + b2_ref[...]).reshape(_BR)


def _vocab_mlp(emb, W1, b1, W2, b2):
    return pl.pallas_call(
        _mlp_body,
        grid=(_NSTEP,),
        in_specs=[
            pl.BlockSpec((_BR, _D), lambda i: (i, 0)),
            pl.BlockSpec((_D, _D), lambda i: (0, 0)),
            pl.BlockSpec((_D, 1), lambda i: (0, 0)),
            pl.BlockSpec((_D, 1), lambda i: (0, 0)),
            pl.BlockSpec((1, 1), lambda i: (0, 0)),
        ],
        out_specs=pl.BlockSpec((_BR,), lambda i: (i,)),
        out_shape=jax.ShapeDtypeStruct((_V_PAD,), jnp.float32),
    )(emb, W1, b1.reshape(_D, 1), W2, b2.reshape(1, 1))


_ROW_OFFS = tuple(range(0, _L - _LANES + 1, _LANES)) + (_L - _LANES,)


def _gather_body(table_hbm, idx_hbm, out_hbm, table_v, idx_v, val_v):
    wid = lax.axis_index("s") * _NC + lax.axis_index("c")
    row_base = wid * _ROWS_W
    pltpu.sync_copy(table_hbm, table_v)

    def chunk_body(c, _):
        row0 = row_base + c * _ROWS_CH
        pltpu.sync_copy(idx_hbm.at[pl.ds(row0 * _L, _ROWS_CH * _L)], idx_v)

        def row_body(r, _):
            flat = r * _L
            for off in _ROW_OFFS:
                ids = idx_v[pl.ds(flat + off, _LANES)]
                val_v[r, pl.ds(off, _LANES)] = plsc.load_gather(table_v, [ids])
            return 0

        lax.fori_loop(0, _ROWS_CH, row_body, 0)
        pltpu.sync_copy(val_v, out_hbm.at[pl.ds(row0, _ROWS_CH), :])
        return 0

    lax.fori_loop(0, _ROWS_W // _ROWS_CH, chunk_body, 0)


def _sc_gather(s_flat, idx_flat):
    mesh = plsc.VectorSubcoreMesh(core_axis_name="c", subcore_axis_name="s",
                                  num_cores=_NC, num_subcores=_NS)
    fn = pl.kernel(
        _gather_body,
        out_type=jax.ShapeDtypeStruct((_B, _L), jnp.float32),
        name="sc_table_gather",
        mesh=mesh,
        scratch_types=[
            pltpu.VMEM((_V_PAD,), jnp.float32),
            pltpu.VMEM((_ROWS_CH * _L,), jnp.int32),
            pltpu.VMEM((_ROWS_CH, _L), jnp.float32),
        ],
        compiler_params=pltpu.CompilerParams(needs_layout_passes=False),
    )
    return fn(s_flat, idx_flat)


def _reduce_body(x_ref, out_ref):
    x = x_ref[...]
    rowmax = jnp.max(x, axis=1, keepdims=True)
    lse = rowmax + jnp.log(jnp.sum(jnp.exp(x - rowmax), axis=1, keepdims=True))
    out_ref[...] = jnp.max(x - lse, axis=0, keepdims=True)


def _reduce(out_bl):
    return pl.pallas_call(
        _reduce_body,
        out_shape=jax.ShapeDtypeStruct((1, _L), jnp.float32),
    )(out_bl)


def kernel(inputs, emb, W1, b1, W2, b2):
    s = _vocab_mlp(emb, W1, b1, W2, b2)
    idx_flat = inputs.reshape(-1).astype(jnp.int32)
    out_bl = _sc_gather(s, idx_flat)
    res = _reduce(out_bl)
    return res.reshape(_L, 1)

# --- scband reference (transcript-rebuilt; emitter-appended) ---
"""Pipeline reference for scband-embedding-dense-net-37452114821722 (READ-ONLY COPY).

The authoritative reference and input builder live on the scoring server;
editing this copy changes nothing except your own understanding.
"""

import jax, jax.numpy as jnp
import numpy as np

VOCAB = 100000
EMBED_DIM = 128
HIDDEN = 128
B = 4096
L = 200

def setup_inputs(seed: int = 0) -> dict:
    key = jax.random.key(seed)
    k0, k1, k2, k3, k4, k5 = jax.random.split(key, 6)
    inputs = jax.random.randint(k0, (B, L), 0, VOCAB, dtype=jnp.int64) if jax.config.jax_enable_x64 else jax.random.randint(k0, (B, L), 0, VOCAB, dtype=jnp.int32)
    emb = jax.random.normal(k1, (VOCAB, EMBED_DIM), dtype=jnp.float32)
    W1 = jax.random.normal(k2, (EMBED_DIM, HIDDEN), dtype=jnp.float32) * (1.0 / np.sqrt(EMBED_DIM))
    b1 = jax.random.normal(k3, (HIDDEN,), dtype=jnp.float32) * 0.01
    W2 = jax.random.normal(k4, (HIDDEN, 1), dtype=jnp.float32) * (1.0 / np.sqrt(HIDDEN))
    b2 = jax.random.normal(k5, (1,), dtype=jnp.float32) * 0.01
    return {"inputs": inputs, "emb": emb, "W1": W1, "b1": b1, "W2": W2, "b2": b2}

def reference(inputs, emb, W1, b1, W2, b2):
    # embeds = self.embeddings(inputs)  -> gather rows of the table
    embeds = jnp.take(emb, inputs, axis=0)              # [B, L, D]
    # out = relu(linear1(embeds))
    h = jax.nn.relu(jnp.einsum('bld,dh->blh', embeds, W1) + b1)  # [B, L, 128]
    # out = linear2(out)
    out = jnp.einsum('blh,ho->blo', h, W2) + b2          # [B, L, 1]
    # log_probs = log_softmax(out, dim=1)
    log_probs = jax.nn.log_softmax(out, axis=1)          # [B, L, 1]
    # `max(log_probs)` in the original iterates over dim 0; interpreted as max over the batch dim
    return jnp.max(log_probs, axis=0)                    # [L, 1]

if __name__ == "__main__":
    import jax
    _d = setup_inputs()
    print(jax.jit(kernel)(*tuple(_d.values())))

</pallas_src>

<mosaic_0001>
#map = affine_map<(d0, d1) -> (0)>
#map1 = affine_map<(d0, d1) -> (0, 0)>
module attributes {stable_mosaic.version = 14 : i64} {
  func.func @sc_table_gather(%arg0: i32, %arg1: i32, %arg2: memref<102400xf32, #tpu.memory_space<hbm>>, %arg3: memref<819200xi32, #tpu.memory_space<hbm>>, %arg4: memref<4096x200xf32, #tpu.memory_space<hbm>>, %arg5: memref<102400xf32, #tpu.memory_space<vmem>>, %arg6: memref<6400xi32, #tpu.memory_space<vmem>>, %arg7: memref<32x200xf32, #tpu.memory_space<vmem>>) attributes {dimension_semantics = [#tpu.dimension_semantics<core_parallel>, #tpu.dimension_semantics<subcore_parallel>], iteration_bounds = array<i64: 2, 16>, scalar_prefetch = 0 : i64, scratch_operands = 3 : i64, tpu.core_type = #tpu.core_type<sc_vector_subcore>, window_params = [{transform_indices = #map}, {transform_indices = #map}, {transform_indices = #map1}]} {
    %mul3A = arith.constant 2 : i32
    %mul3A_0 = arith.muli %arg1, %mul3A : i32
    %add3A = arith.addi %mul3A_0, %arg0 : i32
    %mul3A_1 = arith.constant 128 : i32
    %mul3A_2 = arith.muli %add3A, %mul3A_1 : i32
    "tpu.region"() ({
      %run_scoped3A = tpu.sem_alloc : memref<!tpu.dma_semaphore, #tpu.memory_space<semaphore_mem>>
      tpu.enqueue_dma source(%arg2 : memref<102400xf32, #tpu.memory_space<hbm>>) target(%arg5 : memref<102400xf32, #tpu.memory_space<vmem>>) target_semaphore(%run_scoped3A : memref<!tpu.dma_semaphore, #tpu.memory_space<semaphore_mem>>)
      tpu.wait_dma2 semaphore(%run_scoped3A : memref<!tpu.dma_semaphore, #tpu.memory_space<semaphore_mem>>) src(%arg2 : memref<102400xf32, #tpu.memory_space<hbm>>) dst(%arg5 : memref<102400xf32, #tpu.memory_space<vmem>>)
      tpu.yield
    }) : () -> ()
    %scan3A = arith.constant 0 : i32
    %scan3A_3 = arith.constant 0 : i32
    %scan3A_4 = arith.constant 4 : i32
    %scan3A_5 = arith.addi %scan3A_3, %scan3A_4 : i32
    %scan3A_6 = arith.constant 1 : i32
    %scan3A_7 = scf.for %scan3A_9 = %scan3A_3 to %scan3A_5 step %scan3A_6 iter_args(%scan3A_10 = %scan3A) -> (i32)  : i32 {
      %mul3A_11 = arith.constant 32 : i32
      %mul3A_12 = arith.muli %scan3A_9, %mul3A_11 : i32
      %add3A_13 = arith.addi %mul3A_2, %mul3A_12 : i32
      %mul3A_14 = arith.constant 200 : i32
      %mul3A_15 = arith.muli %add3A_13, %mul3A_14 : i32
      "tpu.region"() ({
        %run_scoped3A = tpu.sem_alloc : memref<!tpu.dma_semaphore, #tpu.memory_space<semaphore_mem>>
        %dma_start3A = tpu.memref_slice %arg3[%mul3A_15] : memref<819200xi32, #tpu.memory_space<hbm>> -> memref<6400xi32, #tpu.memory_space<hbm>>
        %dma_start3A_24 = tpu.memref_slice %arg3[%mul3A_15] : memref<819200xi32, #tpu.memory_space<hbm>> -> memref<6400xi32, #tpu.memory_space<hbm>>
        tpu.enqueue_dma source(%dma_start3A_24 : memref<6400xi32, #tpu.memory_space<hbm>>) target(%arg6 : memref<6400xi32, #tpu.memory_space<vmem>>) target_semaphore(%run_scoped3A : memref<!tpu.dma_semaphore, #tpu.memory_space<semaphore_mem>>)
        %dma_wait3A = tpu.memref_slice %arg3[%mul3A_15] : memref<819200xi32, #tpu.memory_space<hbm>> -> memref<6400xi32, #tpu.memory_space<hbm>>
        %dma_wait3A_25 = tpu.memref_slice %arg3[%mul3A_15] : memref<819200xi32, #tpu.memory_space<hbm>> -> memref<6400xi32, #tpu.memory_space<hbm>>
        tpu.wait_dma2 semaphore(%run_scoped3A : memref<!tpu.dma_semaphore, #tpu.memory_space<semaphore_mem>>) src(%dma_wait3A_25 : memref<6400xi32, #tpu.memory_space<hbm>>) dst(%arg6 : memref<6400xi32, #tpu.memory_space<vmem>>)
        tpu.yield
      }) : () -> ()
      %scan3A_16 = arith.constant 0 : i32
      %scan3A_17 = arith.constant 0 : i32
      %scan3A_18 = arith.constant 32 : i32
      %scan3A_19 = arith.addi %scan3A_17, %scan3A_18 : i32
      %scan3A_20 = arith.constant 1 : i32
      %scan3A_21 = scf.for %scan3A_24 = %scan3A_17 to %scan3A_19 step %scan3A_20 iter_args(%scan3A_25 = %scan3A_16) -> (i32)  : i32 {
        %mul3A_26 = arith.constant 200 : i32
        %mul3A_27 = arith.muli %scan3A_24, %mul3A_26 : i32
        %add3A_28 = arith.constant 0 : i32
        %add3A_29 = arith.addi %mul3A_27, %add3A_28 : i32
        %get3A = arith.index_cast %add3A_29 : i32 to index
        %get3A_30 = tpu.vector_load %arg6[%get3A] {strides = array<i32>} : memref<6400xi32, #tpu.memory_space<vmem>>, vector<16xi32>,
        %gather3A = tpu.vector_load_idx %arg5[%get3A_30] : memref<102400xf32, #tpu.memory_space<vmem>>[vector<16xi32>], vector<16xf32>,
        %swap3A = arith.index_cast %scan3A_24 : i32 to index
        %swap3A_31 = arith.constant 0 : index
        %swap3A_32 = tpu.vector_load %arg7[%swap3A, %swap3A_31] {strides = array<i32>} : memref<32x200xf32, #tpu.memory_space<vmem>>, vector<16xf32>,
        tpu.vector_store %arg7[%swap3A, %swap3A_31], %gather3A {strides = array<i32>} : memref<32x200xf32, #tpu.memory_space<vmem>>, vector<16xf32>,
        %add3A_33 = arith.constant 16 : i32
        %add3A_34 = arith.addi %mul3A_27, %add3A_33 : i32
        %get3A_35 = arith.index_cast %add3A_34 : i32 to index
        %get3A_36 = tpu.vector_load %arg6[%get3A_35] {strides = array<i32>} : memref<6400xi32, #tpu.memory_space<vmem>>, vector<16xi32>,
        %gather3A_37 = tpu.vector_load_idx %arg5[%get3A_36] : memref<102400xf32, #tpu.memory_space<vmem>>[vector<16xi32>], vector<16xf32>,
        %swap3A_38 = arith.index_cast %scan3A_24 : i32 to index
        %swap3A_39 = arith.constant 16 : index
        %swap3A_40 = tpu.vector_load %arg7[%swap3A_38, %swap3A_39] {strides = array<i32>} : memref<32x200xf32, #tpu.memory_space<vmem>>, vector<16xf32>,
        tpu.vector_store %arg7[%swap3A_38, %swap3A_39], %gather3A_37 {strides = array<i32>} : memref<32x200xf32, #tpu.memory_space<vmem>>, vector<16xf32>,
        %add3A_41 = arith.constant 32 : i32
        %add3A_42 = arith.addi %mul3A_27, %add3A_41 : i32
        %get3A_43 = arith.index_cast %add3A_42 : i32 to index
        %get3A_44 = tpu.vector_load %arg6[%get3A_43] {strides = array<i32>} : memref<6400xi32, #tpu.memory_space<vmem>>, vector<16xi32>,
        %gather3A_45 = tpu.vector_load_idx %arg5[%get3A_44] : memref<102400xf32, #tpu.memory_space<vmem>>[vector<16xi32>], vector<16xf32>,
        %swap3A_46 = arith.index_cast %scan3A_24 : i32 to index
        %swap3A_47 = arith.constant 32 : index
        %swap3A_48 = tpu.vector_load %arg7[%swap3A_46, %swap3A_47] {strides = array<i32>} : memref<32x200xf32, #tpu.memory_space<vmem>>, vector<16xf32>,
        tpu.vector_store %arg7[%swap3A_46, %swap3A_47], %gather3A_45 {strides = array<i32>} : memref<32x200xf32, #tpu.memory_space<vmem>>, vector<16xf32>,
        %add3A_49 = arith.constant 48 : i32
        %add3A_50 = arith.addi %mul3A_27, %add3A_49 : i32
        %get3A_51 = arith.index_cast %add3A_50 : i32 to index
        %get3A_52 = tpu.vector_load %arg6[%get3A_51] {strides = array<i32>} : memref<6400xi32, #tpu.memory_space<vmem>>, vector<16xi32>,
        %gather3A_53 = tpu.vector_load_idx %arg5[%get3A_52] : memref<102400xf32, #tpu.memory_space<vmem>>[vector<16xi32>], vector<16xf32>,
        %swap3A_54 = arith.index_cast %scan3A_24 : i32 to index
        %swap3A_55 = arith.constant 48 : index
        %swap3A_56 = tpu.vector_load %arg7[%swap3A_54, %swap3A_55] {strides = array<i32>} : memref<32x200xf32, #tpu.memory_space<vmem>>, vector<16xf32>,
        tpu.vector_store %arg7[%swap3A_54, %swap3A_55], %gather3A_53 {strides = array<i32>} : memref<32x200xf32, #tpu.memory_space<vmem>>, vector<16xf32>,
        %add3A_57 = arith.constant 64 : i32
        %add3A_58 = arith.addi %mul3A_27, %add3A_57 : i32
        %get3A_59 = arith.index_cast %add3A_58 : i32 to index
        %get3A_60 = tpu.vector_load %arg6[%get3A_59] {strides = array<i32>} : memref<6400xi32, #tpu.memory_space<vmem>>, vector<16xi32>,
        %gather3A_61 = tpu.vector_load_idx %arg5[%get3A_60] : memref<102400xf32, #tpu.memory_space<vmem>>[vector<16xi32>], vector<16xf32>,
        %swap3A_62 = arith.index_cast %scan3A_24 : i32 to index
        %swap3A_63 = arith.constant 64 : index
        %swap3A_64 = tpu.vector_load %arg7[%swap3A_62, %swap3A_63] {strides = array<i32>} : memref<32x200xf32, #tpu.memory_space<vmem>>, vector<16xf32>,
        tpu.vector_store %arg7[%swap3A_62, %swap3A_63], %gather3A_61 {strides = array<i32>} : memref<32x200xf32, #tpu.memory_space<vmem>>, vector<16xf32>,
        %add3A_65 = arith.constant 80 : i32
        %add3A_66 = arith.addi %mul3A_27, %add3A_65 : i32
        %get3A_67 = arith.index_cast %add3A_66 : i32 to index
        %get3A_68 = tpu.vector_load %arg6[%get3A_67] {strides = array<i32>} : memref<6400xi32, #tpu.memory_space<vmem>>, vector<16xi32>,
        %gather3A_69 = tpu.vector_load_idx %arg5[%get3A_68] : memref<102400xf32, #tpu.memory_space<vmem>>[vector<16xi32>], vector<16xf32>,
        %swap3A_70 = arith.index_cast %scan3A_24 : i32 to index
        %swap3A_71 = arith.constant 80 : index
        %swap3A_72 = tpu.vector_load %arg7[%swap3A_70, %swap3A_71] {strides = array<i32>} : memref<32x200xf32, #tpu.memory_space<vmem>>, vector<16xf32>,
        tpu.vector_store %arg7[%swap3A_70, %swap3A_71], %gather3A_69 {strides = array<i32>} : memref<32x200xf32, #tpu.memory_space<vmem>>, vector<16xf32>,
        %add3A_73 = arith.constant 96 : i32
        %add3A_74 = arith.addi %mul3A_27, %add3A_73 : i32
        %get3A_75 = arith.index_cast %add3A_74 : i32 to index
        %get3A_76 = tpu.vector_load %arg6[%get3A_75] {strides = array<i32>} : memref<6400xi32, #tpu.memory_space<vmem>>, vector<16xi32>,
        %gather3A_77 = tpu.vector_load_idx %arg5[%get3A_76] : memref<102400xf32, #tpu.memory_space<vmem>>[vector<16xi32>], vector<16xf32>,
        %swap3A_78 = arith.index_cast %scan3A_24 : i32 to index
        %swap3A_79 = arith.constant 96 : index
        %swap3A_80 = tpu.vector_load %arg7[%swap3A_78, %swap3A_79] {strides = array<i32>} : memref<32x200xf32, #tpu.memory_space<vmem>>, vector<16xf32>,
        tpu.vector_store %arg7[%swap3A_78, %swap3A_79], %gather3A_77 {strides = array<i32>} : memref<32x200xf32, #tpu.memory_space<vmem>>, vector<16xf32>,
        %add3A_81 = arith.constant 112 : i32
        %add3A_82 = arith.addi %mul3A_27, %add3A_81 : i32
        %get3A_83 = arith.index_cast %add3A_82 : i32 to index
        %get3A_84 = tpu.vector_load %arg6[%get3A_83] {strides = array<i32>} : memref<6400xi32, #tpu.memory_space<vmem>>, vector<16xi32>,
        %gather3A_85 = tpu.vector_load_idx %arg5[%get3A_84] : memref<102400xf32, #tpu.memory_space<vmem>>[vector<16xi32>], vector<16xf32>,
        %swap3A_86 = arith.index_cast %scan3A_24 : i32 to index
        %swap3A_87 = arith.constant 112 : index
        %swap3A_88 = tpu.vector_load %arg7[%swap3A_86, %swap3A_87] {strides = array<i32>} : memref<32x200xf32, #tpu.memory_space<vmem>>, vector<16xf32>,
        tpu.vector_store %arg7[%swap3A_86, %swap3A_87], %gather3A_85 {strides = array<i32>} : memref<32x200xf32, #tpu.memory_space<vmem>>, vector<16xf32>,
        %add3A_89 = arith.constant 128 : i32
        %add3A_90 = arith.addi %mul3A_27, %add3A_89 : i32
        %get3A_91 = arith.index_cast %add3A_90 : i32 to index
        %get3A_92 = tpu.vector_load %arg6[%get3A_91] {strides = array<i32>} : memref<6400xi32, #tpu.memory_space<vmem>>, vector<16xi32>,
        %gather3A_93 = tpu.vector_load_idx %arg5[%get3A_92] : memref<102400xf32, #tpu.memory_space<vmem>>[vector<16xi32>], vector<16xf32>,
        %swap3A_94 = arith.index_cast %scan3A_24 : i32 to index
        %swap3A_95 = arith.constant 128 : index
        %swap3A_96 = tpu.vector_load %arg7[%swap3A_94, %swap3A_95] {strides = array<i32>} : memref<32x200xf32, #tpu.memory_space<vmem>>, vector<16xf32>,
        tpu.vector_store %arg7[%swap3A_94, %swap3A_95], %gather3A_93 {strides = array<i32>} : memref<32x200xf32, #tpu.memory_space<vmem>>, vector<16xf32>,
        %add3A_97 = arith.constant 144 : i32
        %add3A_98 = arith.addi %mul3A_27, %add3A_97 : i32
        %get3A_99 = arith.index_cast %add3A_98 : i32 to index
        %get3A_100 = tpu.vector_load %arg6[%get3A_99] {strides = array<i32>} : memref<6400xi32, #tpu.memory_space<vmem>>, vector<16xi32>,
        %gather3A_101 = tpu.vector_load_idx %arg5[%get3A_100] : memref<102400xf32, #tpu.memory_space<vmem>>[vector<16xi32>], vector<16xf32>,
        %swap3A_102 = arith.index_cast %scan3A_24 : i32 to index
        %swap3A_103 = arith.constant 144 : index
        %swap3A_104 = tpu.vector_load %arg7[%swap3A_102, %swap3A_103] {strides = array<i32>} : memref<32x200xf32, #tpu.memory_space<vmem>>, vector<16xf32>,
        tpu.vector_store %arg7[%swap3A_102, %swap3A_103], %gather3A_101 {strides = array<i32>} : memref<32x200xf32, #tpu.memory_space<vmem>>, vector<16xf32>,
        %add3A_105 = arith.constant 160 : i32
        %add3A_106 = arith.addi %mul3A_27, %add3A_105 : i32
        %get3A_107 = arith.index_cast %add3A_106 : i32 to index
        %get3A_108 = tpu.vector_load %arg6[%get3A_107] {strides = array<i32>} : memref<6400xi32, #tpu.memory_space<vmem>>, vector<16xi32>,
        %gather3A_109 = tpu.vector_load_idx %arg5[%get3A_108] : memref<102400xf32, #tpu.memory_space<vmem>>[vector<16xi32>], vector<16xf32>,
        %swap3A_110 = arith.index_cast %scan3A_24 : i32 to index
        %swap3A_111 = arith.constant 160 : index
        %swap3A_112 = tpu.vector_load %arg7[%swap3A_110, %swap3A_111] {strides = array<i32>} : memref<32x200xf32, #tpu.memory_space<vmem>>, vector<16xf32>,
        tpu.vector_store %arg7[%swap3A_110, %swap3A_111], %gather3A_109 {strides = array<i32>} : memref<32x200xf32, #tpu.memory_space<vmem>>, vector<16xf32>,
        %add3A_113 = arith.constant 176 : i32
        %add3A_114 = arith.addi %mul3A_27, %add3A_113 : i32
        %get3A_115 = arith.index_cast %add3A_114 : i32 to index
        %get3A_116 = tpu.vector_load %arg6[%get3A_115] {strides = array<i32>} : memref<6400xi32, #tpu.memory_space<vmem>>, vector<16xi32>,
        %gather3A_117 = tpu.vector_load_idx %arg5[%get3A_116] : memref<102400xf32, #tpu.memory_space<vmem>>[vector<16xi32>], vector<16xf32>,
        %swap3A_118 = arith.index_cast %scan3A_24 : i32 to index
        %swap3A_119 = arith.constant 176 : index
        %swap3A_120 = tpu.vector_load %arg7[%swap3A_118, %swap3A_119] {strides = array<i32>} : memref<32x200xf32, #tpu.memory_space<vmem>>, vector<16xf32>,
        tpu.vector_store %arg7[%swap3A_118, %swap3A_119], %gather3A_117 {strides = array<i32>} : memref<32x200xf32, #tpu.memory_space<vmem>>, vector<16xf32>,
        %add3A_121 = arith.constant 184 : i32
        %add3A_122 = arith.addi %mul3A_27, %add3A_121 : i32
        %get3A_123 = arith.index_cast %add3A_122 : i32 to index
        %get3A_124 = tpu.vector_load %arg6[%get3A_123] {strides = array<i32>} : memref<6400xi32, #tpu.memory_space<vmem>>, vector<16xi32>,
        %gather3A_125 = tpu.vector_load_idx %arg5[%get3A_124] : memref<102400xf32, #tpu.memory_space<vmem>>[vector<16xi32>], vector<16xf32>,
        %swap3A_126 = arith.index_cast %scan3A_24 : i32 to index
        %swap3A_127 = arith.constant 184 : index
        %swap3A_128 = tpu.vector_load %arg7[%swap3A_126, %swap3A_127] {strides = array<i32>} : memref<32x200xf32, #tpu.memory_space<vmem>>, vector<16xf32>,
        tpu.vector_store %arg7[%swap3A_126, %swap3A_127], %gather3A_125 {strides = array<i32>} : memref<32x200xf32, #tpu.memory_space<vmem>>, vector<16xf32>,
        %scan3A_129 = arith.constant 0 : i32
        scf.yield %scan3A_129 : i32
      }
      %scan3A_22 = arith.constant 32 : i32
      "tpu.region"() ({
        %run_scoped3A = tpu.sem_alloc : memref<!tpu.dma_semaphore, #tpu.memory_space<semaphore_mem>>
        %dma_start3A = arith.constant 0 : i32
        %dma_start3A_24 = tpu.memref_slice %arg4[%add3A_13, %dma_start3A] : memref<4096x200xf32, #tpu.memory_space<hbm>> -> memref<32x200xf32, #tpu.memory_space<hbm>>
        %dma_start3A_25 = arith.constant 0 : i32
        %dma_start3A_26 = tpu.memref_slice %arg4[%add3A_13, %dma_start3A_25] : memref<4096x200xf32, #tpu.memory_space<hbm>> -> memref<32x200xf32, #tpu.memory_space<hbm>>
        tpu.enqueue_dma source(%arg7 : memref<32x200xf32, #tpu.memory_space<vmem>>) target(%dma_start3A_26 : memref<32x200xf32, #tpu.memory_space<hbm>>) target_semaphore(%run_scoped3A : memref<!tpu.dma_semaphore, #tpu.memory_space<semaphore_mem>>)
        %dma_wait3A = arith.constant 0 : i32
        %dma_wait3A_27 = tpu.memref_slice %arg4[%add3A_13, %dma_wait3A] : memref<4096x200xf32, #tpu.memory_space<hbm>> -> memref<32x200xf32, #tpu.memory_space<hbm>>
        %dma_wait3A_28 = arith.constant 0 : i32
        %dma_wait3A_29 = tpu.memref_slice %arg4[%add3A_13, %dma_wait3A_28] : memref<4096x200xf32, #tpu.memory_space<hbm>> -> memref<32x200xf32, #tpu.memory_space<hbm>>
        tpu.wait_dma2 semaphore(%run_scoped3A : memref<!tpu.dma_semaphore, #tpu.memory_space<semaphore_mem>>) src(%arg7 : memref<32x200xf32, #tpu.memory_space<vmem>>) dst(%dma_wait3A_29 : memref<32x200xf32, #tpu.memory_space<hbm>>)
        tpu.yield
      }) : () -> ()
      %scan3A_23 = arith.constant 0 : i32
      scf.yield %scan3A_23 : i32
    }
    %scan3A_8 = arith.constant 4 : i32
    return
  }
}

module attributes {stable_mosaic.version = 14 : i64} {
  func.func @_mlp_body(%arg0: i32, %arg1: memref<25600x128xf32, #tpu.memory_space<vmem>>, %arg2: memref<128x128xf32, #tpu.memory_space<vmem>>, %arg3: memref<128x1xf32, #tpu.memory_space<vmem>>, %arg4: memref<128x1xf32, #tpu.memory_space<vmem>>, %arg5: memref<1x1xf32, #tpu.memory_space<vmem>>, %arg6: memref<25600xf32, #tpu.memory_space<vmem>>) attributes {dimension_semantics = [#tpu.dimension_semantics<arbitrary>], iteration_bounds = array<i64: 4>, scalar_prefetch = 0 : i64, scratch_operands = 0 : i64, tpu.core_type = #tpu.core_type<tc>, window_params = [{transform_indices = @transform_0, window_bounds = array<i64: 25600, 128>}, {pipeline_mode = #tpu.pipeline_mode<synchronous>, transform_indices = @transform_1, window_bounds = array<i64: 128, 128>}, {pipeline_mode = #tpu.pipeline_mode<synchronous>, transform_indices = @transform_2, window_bounds = array<i64: 128, 1>}, {pipeline_mode = #tpu.pipeline_mode<synchronous>, transform_indices = @transform_3, window_bounds = array<i64: 128, 1>}, {pipeline_mode = #tpu.pipeline_mode<synchronous>, transform_indices = @transform_4, window_bounds = array<i64: 1, 1>}, {transform_indices = @transform_5, window_bounds = array<i64: 25600>}]} {
    %get3A = arith.constant 0 : index
    %get3A_0 = arith.constant 0 : index
    %get3A_1 = vector.load %arg2[%get3A, %get3A_0] : memref<128x128xf32, #tpu.memory_space<vmem>>, vector<128x128xf32>
    %get3A_2 = arith.constant 0 : index
    %get3A_3 = arith.constant 0 : index
    %get3A_4 = vector.load %arg1[%get3A_2, %get3A_3] : memref<25600x128xf32, #tpu.memory_space<vmem>>, vector<25600x128xf32>
    %dot_general3A = arith.constant dense<0.000000e+00> : vector<128x25600xf32>
    %dot_general3A_5 = tpu.matmul %get3A_1, %get3A_4, %dot_general3A {dimension_numbers = #tpu.dot_dimension_numbers<[0], [1], [1], [0], [0, 1, 1, 0], [], []>, transpose_lhs_hint = false} : vector<128x128xf32>, vector<25600x128xf32>, vector<128x25600xf32> -> vector<128x25600xf32>
    %get3A_6 = arith.constant 0 : index
    %get3A_7 = arith.constant 0 : index
    %get3A_8 = vector.load %arg3[%get3A_6, %get3A_7] : memref<128x1xf32, #tpu.memory_space<vmem>>, vector<128x1xf32>
    %add3A = vector.broadcast %get3A_8 : vector<128x1xf32> to vector<128x25600xf32>
    %add3A_9 = arith.addf %dot_general3A_5, %add3A : vector<128x25600xf32>
    %max3A = arith.constant 0.000000e+00 : f32
    %max3A_10 = vector.broadcast %max3A : f32 to vector<128x25600xf32>
    %max3A_11 = arith.maximumf %add3A_9, %max3A_10 : vector<128x25600xf32>
    %get3A_12 = arith.constant 0 : index
    %get3A_13 = arith.constant 0 : index
    %get3A_14 = vector.load %arg4[%get3A_12, %get3A_13] : memref<128x1xf32, #tpu.memory_space<vmem>>, vector<128x1xf32>
    %dot_general3A_15 = arith.constant dense<0.000000e+00> : vector<1x25600xf32>
    %dot_general3A_16 = tpu.matmul %get3A_14, %max3A_11, %dot_general3A_15 {dimension_numbers = #tpu.dot_dimension_numbers<[0], [0], [1], [1], [0, 1, 1, 1], [], []>, transpose_lhs_hint = false} : vector<128x1xf32>, vector<128x25600xf32>, vector<1x25600xf32> -> vector<1x25600xf32>
    %get3A_17 = arith.constant 0 : index
    %get3A_18 = arith.constant 0 : index
    %get3A_19 = vector.load %arg5[%get3A_17, %get3A_18] : memref<1x1xf32, #tpu.memory_space<vmem>>, vector<1x1xf32>
    %add3A_20 = vector.broadcast %get3A_19 : vector<1x1xf32> to vector<1x25600xf32>
    %add3A_21 = arith.addf %dot_general3A_16, %add3A_20 : vector<1x25600xf32>
    %reshape3A = vector.shape_cast %add3A_21 : vector<1x25600xf32> to vector<25600xf32>
    %swap3A = arith.constant 0 : index
    %swap3A_22 = vector.load %arg6[%swap3A] : memref<25600xf32, #tpu.memory_space<vmem>>, vector<25600xf32>
    tpu.vector_store %arg6[%swap3A], %reshape3A {strides = array<i32>} : memref<25600xf32, #tpu.memory_space<vmem>>, vector<25600xf32>,
    return
  }
  func.func @transform_0(%arg0: i32) -> (i32, i32) {
    %c0_i32 = arith.constant 0 : i32
    %c0_i32_0 = arith.constant 0 : i32
    return %arg0, %c0_i32 : i32, i32
  }
  func.func @transform_1(%arg0: i32) -> (i32, i32) {
    %c0_i32 = arith.constant 0 : i32
    %c0_i32_0 = arith.constant 0 : i32
    %c0_i32_1 = arith.constant 0 : i32
    return %c0_i32, %c0_i32_0 : i32, i32
  }
  func.func @transform_2(%arg0: i32) -> (i32, i32) {
    %c0_i32 = arith.constant 0 : i32
    %c0_i32_0 = arith.constant 0 : i32
    %c0_i32_1 = arith.constant 0 : i32
    return %c0_i32, %c0_i32_0 : i32, i32
  }
  func.func @transform_3(%arg0: i32) -> (i32, i32) {
    %c0_i32 = arith.constant 0 : i32
    %c0_i32_0 = arith.constant 0 : i32
    %c0_i32_1 = arith.constant 0 : i32
    return %c0_i32, %c0_i32_0 : i32, i32
  }
  func.func @transform_4(%arg0: i32) -> (i32, i32) {
    %c0_i32 = arith.constant 0 : i32
    %c0_i32_0 = arith.constant 0 : i32
    %c0_i32_1 = arith.constant 0 : i32
    return %c0_i32, %c0_i32_0 : i32, i32
  }
  func.func @transform_5(%arg0: i32) -> i32 {
    %c0_i32 = arith.constant 0 : i32
    return %arg0 : i32
  }
}

module attributes {stable_mosaic.version = 14 : i64} {
  func.func @_reduce_body(%arg0: memref<4096x200xf32, #tpu.memory_space<vmem>>, %arg1: memref<1x200xf32, #tpu.memory_space<vmem>>) attributes {dimension_semantics = [], scalar_prefetch = 0 : i64, scratch_operands = 0 : i64, tpu.core_type = #tpu.core_type<tc>} {
    %get3A = arith.constant 0 : index
    %get3A_0 = arith.constant 0 : index
    %get3A_1 = vector.load %arg0[%get3A, %get3A_0] : memref<4096x200xf32, #tpu.memory_space<vmem>>, vector<4096x200xf32>
    %reduce_max3A = arith.constant dense<0xFF800000> : vector<4096xf32>
    %reduce_max3A_2 = vector.multi_reduction <maximumf>, %get3A_1, %reduce_max3A [1] : vector<4096x200xf32> to vector<4096xf32>
    %broadcast_in_dim3A = vector.shape_cast %reduce_max3A_2 : vector<4096xf32> to vector<4096x1xf32>
    %sub3A = vector.broadcast %broadcast_in_dim3A : vector<4096x1xf32> to vector<4096x200xf32>
    %sub3A_3 = arith.subf %get3A_1, %sub3A : vector<4096x200xf32>
    %exp3A = math.exp %sub3A_3 : vector<4096x200xf32>
    %reduce_sum3A = arith.constant dense<0.000000e+00> : vector<4096xf32>
    %reduce_sum3A_4 = vector.multi_reduction <add>, %exp3A, %reduce_sum3A [1] : vector<4096x200xf32> to vector<4096xf32>
    %broadcast_in_dim3A_5 = vector.shape_cast %reduce_sum3A_4 : vector<4096xf32> to vector<4096x1xf32>
    %log3A = math.log %broadcast_in_dim3A_5 : vector<4096x1xf32>
    %add3A = arith.addf %broadcast_in_dim3A, %log3A : vector<4096x1xf32>
    %sub3A_6 = vector.broadcast %add3A : vector<4096x1xf32> to vector<4096x200xf32>
    %sub3A_7 = arith.subf %get3A_1, %sub3A_6 : vector<4096x200xf32>
    %reduce_max3A_8 = arith.constant dense<0xFF800000> : vector<200xf32>
    %reduce_max3A_9 = vector.multi_reduction <maximumf>, %sub3A_7, %reduce_max3A_8 [0] : vector<4096x200xf32> to vector<200xf32>
    %broadcast_in_dim3A_10 = vector.shape_cast %reduce_max3A_9 : vector<200xf32> to vector<1x200xf32>
    %swap3A = arith.constant 0 : index
    %swap3A_11 = arith.constant 0 : index
    %swap3A_12 = vector.load %arg1[%swap3A, %swap3A_11] : memref<1x200xf32, #tpu.memory_space<vmem>>, vector<1x200xf32>
    tpu.vector_store %arg1[%swap3A, %swap3A_11], %broadcast_in_dim3A_10 {strides = array<i32>} : memref<1x200xf32, #tpu.memory_space<vmem>>, vector<1x200xf32>,
    return
  }
}

</mosaic_0001>

<sc_bundles>
// kernel: sc_table_gather.3.cloned.1.call-start
scs
__scs_entry_jumppad:
0x0: {  	(pc) =	sbr.rel $0x88, $3  }
0x1: {  	(tag) =	ssettag $0x0;
	lr =	simm.s32 $0x1  }
0x2: {  	[smem:$0x3F9B] =	sst lr;
	_ =	strace $0xD0000000  }
0x3: {  	_ = 	snop  }
0x4: {  	_ = 	snop  }
0x5: {  	_ = 	snop  }
0x6: {  	_ = 	snop  }
0x7: {  	_ = 	snop  }
__scs_overlays_trampoline_lowered:
0x8: {  	[smem:$0x3FAA] =	sst s0  }
0x9: {  	[smem:$0x3FAB] =	sst s1  }
0xa: {  	[smem:$0x3FAC] =	sst s2  }
0xb: {  	[smem:$0x3FAD] =	sst s3  }
0xc: {  	[smem:$0x3FAE] =	sst s4  }
0xd: {  	[smem:$0x3FAF] =	sst s5  }
0xe: {  	[smem:$0x3FB0] =	sst s6  }
0xf: {  	[smem:$0x3FB1] =	sst s7  }
0x10: {  	[smem:$0x3FB2] =	sst s8  }
0x11: {  	[smem:$0x3FB3] =	sst s9;
	s0 =	simm.s32 @!p0 $0x0  }
0x12: {  	s1 =	sld [smem:$0x3F99];
	s0 =	simm.s32 @p0 $0x1  }
0x13: {  	[smem:$0x3FB4] =	sst s0;
	s0 =	simm.s32 @!p1 $0x0  }
0x14: {  	s2 =	sld [smem:$0x3F98];
	s0 =	simm.s32 @p1 $0x1  }
0x15: {  	[smem:$0x3FB5] =	sst s0;
	s0 =	simm.s32 @!p2 $0x0  }
0x16: {  	s3 =	sld [smem:$0x3FDB];
	s0 =	simm.s32 @p2 $0x1  }
0x17: {  	s4 =	simm.s32 $0x1BF5;
	[smem:$0x3FB7] =	sst s0  }
0x18: {  	s0 =	sld [smem:$0x3F9A];
	_ =	swait.ge [sflag:s4], $0x0  }
0x19: {  	s7 =	sld [smem:$0x3F9B]  }
0x1a: {  	s8 =	sadd.s32 $0xFFFFE003, lr  }
0x1b: {  	s9 =	sadd.s32 $0xFFFFFEF7, lr;
	s5 =	simm.s32 $0xFFFFFFFF;
	p2 =	slt.u32 s8, $0xFFFFF086  }
0x1c: {  	p1 =	slt.u32 s9, $0xF7A;
	s5 =	simm.s32 @!p2 $0x0  }
0x1d: {  	s5 =	simm.s32 @p1 $0x1;
	p0 =	seq.s32 s7, s2  }
0x1e: {  	s7 =	smul.u32 @!p0 $0xF7A, s2;
	p2 =	seq.s32 @!p0 s5, $0x0  }
0x1f: {  	s9 =	smul.u32 $0xF7A, s1;
	s8 =	simm.s32 @!p0 $0x1BF5;
	p2 =	por !p2, p0  }
0x20: {  	[sflag:s8] =	ssyncset.s32 @!p0 $0xFFFFF086;
	s6 =	sadd.s32 @!p0 s3, s7;
	s7 =	simm.s32 @!p0 $0x108  }
0x21: {  	s3 =	sadd.s32 s3, s9;
	s6 =	sadd.s32 @!p0 $0x88, s6;
	s7 =	simm.s32 @p2 $0x1082  }
0x22: {  	[simem:s7], [sflag:s8] =	dma.local @!p0 [hbm:s6], $0xF7A  }
0x23: {  	s9 =	sor.u32 $0xD0000000, s2;
	s6 =	simm.s32 $0x108;
	_ =	swait.ge @!p0 [sflag:s8], $0x0  }
0x24: {  	s3 =	sadd.s32 $0x88, s3;
	s6 =	simm.s32 @!p1 $0x1082;
	[sflag:s4] =	ssyncset.s32 $0xFFFFF086  }
0x25: {  	[simem:s6], [sflag:s4] =	dma.local [hbm:s3], $0xF7A  }
0x26: {  	[smem:$0x3F9B] =	sst s1;
	(tag) =	ssettag s2;
	_ =	strace s9  }
0x27: {  	s1 =	sld [smem:$0x3FAB]  }
0x28: {  	s2 =	sld [smem:$0x3FAC]  }
0x29: {  	s4 =	sld [smem:$0x3FAE]  }
0x2a: {  	p0 =	seq.s32 s5, $0x0;
	s5 =	sld [smem:$0x3FAF]  }
0x2b: {  	s6 =	sld [smem:$0x3FB0]  }
0x2c: {  	s7 =	sld [smem:$0x3FB1]  }
0x2d: {  	s3 =	simm.s32 $0x108;
	s8 =	sld [smem:$0x3FB2]  }
0x2e: {  	s3 =	simm.s32 @!p0 $0x1082;
	s9 =	sld [smem:$0x3FB3]  }
0x2f: {  	lr =	sadd.s32 s0, s3;
	s0 =	sld [smem:$0x3FAA]  }
0x30: {  	s3 =	sld [smem:$0x3FAD]  }
0x31: {  	[smem:$0x3FB6] =	sst s10  }
0x32: {  	s10 =	sld [smem:$0x3FB4];
	_ =	sdelay $0x3  }
0x33: {  	p0 =	seq.s32 s10, $0x1;
	s10 =	sld [smem:$0x3FB6];
	_ =	sdelay $0x3  }
0x34: {  	[smem:$0x3FB6] =	sst s10  }
0x35: {  	s10 =	sld [smem:$0x3FB5];
	_ =	sdelay $0x3  }
0x36: {  	p1 =	seq.s32 s10, $0x1;
	s10 =	sld [smem:$0x3FB6];
	_ =	sdelay $0x3  }
0x37: {  	[smem:$0x3FB6] =	sst s10  }
0x38: {  	s10 =	sld [smem:$0x3FB7]  }
0x39: {  	_ = 	snop;
	(pc) =	sbr.ind lr, $3  }
0x3a: {  	_ = 	snop  }
0x3b: {  	_ = 	snop  }
0x3c: {  	p2 =	seq.s32 s10, $0x1;
	s10 =	sld [smem:$0x3FB6]  }
0x3d: {  	_ =	shalt  }
0x3e: {  	_ =	shalt  }
0x3f: {  	_ =	shalt  }
0x40: {  	_ =	shalt  }
0x41: {  	_ =	shalt  }
0x42: {  	_ =	shalt  }
0x43: {  	_ =	shalt  }
0x44: {  	_ =	shalt  }
0x45: {  	_ =	shalt  }
0x46: {  	_ =	shalt  }
0x47: {  	_ =	shalt  }
0x48: {  	_ =	shalt  }
0x49: {  	_ =	shalt  }
0x4a: {  	_ =	shalt  }
0x4b: {  	_ =	shalt  }
0x4c: {  	_ =	shalt  }
0x4d: {  	_ =	shalt  }
0x4e: {  	_ =	shalt  }
0x4f: {  	_ =	shalt  }
0x50: {  	_ =	shalt  }
0x51: {  	_ =	shalt  }
0x52: {  	_ =	shalt  }
0x53: {  	_ =	shalt  }
0x54: {  	_ =	shalt  }
0x55: {  	_ =	shalt  }
0x56: {  	_ =	shalt  }
0x57: {  	_ =	shalt  }
0x58: {  	_ =	shalt  }
0x59: {  	_ =	shalt  }
0x5a: {  	_ =	shalt  }
0x5b: {  	_ =	shalt  }
0x5c: {  	_ =	shalt  }
0x5d: {  	_ =	shalt  }
0x5e: {  	_ =	shalt  }
0x5f: {  	_ =	shalt  }
0x60: {  	_ =	shalt  }
0x61: {  	_ =	shalt  }
0x62: {  	_ =	shalt  }
0x63: {  	_ =	shalt  }
0x64: {  	_ =	shalt  }
0x65: {  	_ =	shalt  }
0x66: {  	_ =	shalt  }
0x67: {  	_ =	shalt  }
0x68: {  	_ =	shalt  }
0x69: {  	_ =	shalt  }
0x6a: {  	_ =	shalt  }
0x6b: {  	_ =	shalt  }
0x6c: {  	_ =	shalt  }
0x6d: {  	_ =	shalt  }
0x6e: {  	_ =	shalt  }
0x6f: {  	_ =	shalt  }
0x70: {  	_ =	shalt  }
0x71: {  	_ =	shalt  }
0x72: {  	_ =	shalt  }
0x73: {  	_ =	shalt  }
0x74: {  	_ =	shalt  }
0x75: {  	_ =	shalt  }
0x76: {  	_ =	shalt  }
0x77: {  	_ =	shalt  }
0x78: {  	_ =	shalt  }
0x79: {  	_ =	shalt  }
0x7a: {  	_ =	shalt  }
0x7b: {  	_ =	shalt  }
0x7c: {  	_ =	shalt  }
0x7d: {  	_ =	shalt  }
0x7e: {  	_ =	shalt  }
0x7f: {  	_ =	shalt  }
0x80: {  	_ =	shalt  }
0x81: {  	_ =	shalt  }
0x82: {  	_ =	shalt  }
0x83: {  	_ =	shalt  }
0x84: {  	_ =	shalt  }
0x85: {  	_ =	shalt  }
0x86: {  	_ =	shalt  }
0x87: {  	_ =	shalt  }
.Lfunc_end0:
.L_simem_size_0:
called_computation_lowered:
.L_overlay_start_0:
0x88: {  	s2 =	sld [smem:$0x3FD9]  }
0x89: {  	s3 =	sld [smem:$0x3FFE];
	_ =	sdelay $0x1  }
0x8a: {  	s1 =	srdreg.scid  }
0x8b: {  	s0 =	sand.u32 $0x1, s1  }
0x8c: {  	s16 =	sshll.u32 s0, $0xA;
	s2 =	sadd.s32 s3, s2  }
0x8d: {  	s2 =	sadd.s32 s2, s16  }
0x8e: {  	[smem:$0x3FC2] =	sst s2  }
0x8f: {  	_ = 	snop  }
0x90: {  	(tm) =	ssettm $0x1  }
0x91: {  	s17 =	sld [smem:$0x3FFB];
	_ =	sdelay $0x3  }
0x92: {  	_ =	strace s17  }
0x93: {  	s2 =	sld [smem:$0x3FFC];
	_ =	sdelay $0x3  }
0x94: {  	_ =	strace s2  }
0x95: {  	s2 =	sld [smem:$0x3FFD];
	_ =	sdelay $0x3  }
0x96: {  	_ =	strace s2  }
0x97: {  	_ =	strace $0x8FFFFFFF  }
0x98: {  	s18 =	sld [smem:$0x3FDB];
	_ =	sdelay $0x1  }
0x99: {  	s19 =	simm.s32 $_scs_section_size  }
0x9a: {  	s4 =	simm.s32 $_size__tile_overlayer_lowered;
	s5 =	simm.s32 $_tile_overlayer_lowered  }
0x9b: {  	s22 =	simm.s32 $0x1BFF;
	s21 =	sshll.u32 s5, $0x1;
	s2 =	sadd.s32 s19, s18  }
0x9c: {  	s6 =	simm.s32 $0x0;
	s20 =	sshll.u32 s4, $0x1;
	s4 =	sadd.s32 s21, s2  }
0x9d: {  	[timem:s6], [sflag:s22] =	dma.local [hbm:s4], s20  }
0x9e: {  	_ =	swait.ge [sflag:s22], s20  }
0x9f: {  	s3 =	ssub.s32 $0x0, s20;
	[sflag:s22] =	ssyncset.done $0x0  }
0xa0: {  	[sflag:s22] =	ssyncadd.s32 s3;
	_ =	sdelay $0x1  }
0xa1: {  	s23 =	simm.s32 $0x1B8B  }
0xa2: {  	_ =	swait.ge [sflag:s23], $0x1  }
0xa3: {  	[sflag:s23] =	ssyncset.done $0x0  }
0xa4: {  	s25 =	simm.s32 $0x1B8E;
	s24 =	sld [smem:$0x3FFE];
	[sflag:s23] =	ssyncadd.s32 $0xFFFFFFFF  }
0xa5: {  	s26 =	simm.s32 $execute0_lowered;
	[smem:$0x3FD2] =	sst s25  }
0xa6: {  	s4 =	sshll.u32 s26, $0x1;
	_ =	strace $0x80000046;
	[dreg:$0x1] =	wrdreg $0xFFFFFFFF  }
0xa7: {  	s28 =	simm.s32 $_size_execute0_lowered;
	s2 =	sadd.s32 s2, s4;
	[dreg:$0x0] =	wrdreg $0x0  }
0xa8: {  	s4 =	sshll.u32 s28, $0x1;
	[dreg:$0x2] =	wrdreg s2  }
0xa9: {  	[dreg:$0x3] =	wrdreg s4  }
0xaa: {  	[dreg:$0x4] =	wrdreg $0xC0  }
0xab: {  	_ =	task [dreg:s6], $0x5FFFF  }
0xac: {  	[dreg:$0x1] =	wrdreg $0xFFFFFFFF  }
0xad: {  	[dreg:$0x0] =	wrdreg $0x60  }
0xae: {  	[dreg:$0x2] =	wrdreg s24  }
0xaf: {  	[dreg:$0x3] =	wrdreg $0x9  }
0xb0: {  	_ =	task.clear_ibuf [dreg:s6], $0x4FFFF;
	_ =	strace $0x90000046  }
0xb1: {  	s29 =	simm.s32 $0x9;
	_ =	strace $0x80000048  }
0xb2: {  	_ =	swait.ge [sflag:s29], $0x1  }
0xb3: {  	[sflag:s29] =	ssyncadd.s32 $0xFFFFFFFF  }
0xb4: {  	_ =	strace $0x90000048  }
0xb5: {  	_ =	sfence  }
0xb6: {  	s30 =	sld [smem:$0x0];
	_ =	sdelay $0x2  }
0xb7: {  	s31 =	sshll.u32 s1, $0xD;
	s1 =	sshrl.u32 s1, $0x2  }
0xb8: {  	s3 =	sand.u32 $0x4000, s31;
	s1 =	sadd.s32 s1, s30  }
0xb9: {  	s0 =	sor.u32 s3, s0;
	s1 =	sshll.u32 s1, $0x11  }
0xba: {  	s0 =	sor.u32 s1, s0  }
0xbb: {  	s0 =	sadd.s32 $0x8F2B, s0  }
0xbc: {  	[sflag:s0] =	ssyncadd.remote.s32 $0x1  }
0xbd: {  	_ =	sfence.sel $0xFFFF  }
0xbe: {  	[dreg:$0x0] =	wrdreg $0xFFFFFFFF;
	(pc) =	sbr.abs _section_cstart, $3  }
0xbf: {  	[dreg:$0x1] =	wrdreg $0xFFFFFFFF  }
0xc0: {  	_ =	task.clear_ibuf [dreg:s6], $0x2FFFF;
	_ =	strace $0x9FFFFFFF  }
0xc1: {  	(tm) =	ssettm $0x7FFFFFFF  }
tec
execute0_lowered:
.L_overlay_start_1:
0x0: {  	(tag) =	ssettag $0x1  }
0x1: {  	s2 =	rddreg [dreg:$0x0]  }
0x2: {  	s0 =	rddreg [dreg:$0x1];
	s1 =	simm.s32 $0x0;
	s3 =	srdreg.scid  }
0x3: {  	s9 =	simm.s32 $0x19000;
	s10 =	simm.s32 $0x1A900;
	s11 =	simm.s32 $0x0  }
0x4: {  	[smem:$0x7FF] =	sst s1;
	s6 =	sand.u32 $0x1, s3;
	s3 =	sadd.s32 $0x19A00, s2  }
0x5: {  	s4 =	sadd.s32 $0xA00, s2;
	s5 =	sadd.s32 $0x1CC00, s2;
	s7 =	ssub.s32 $0x2, s6  }
0x6: {  	s2 =	stileid.u32;
	_ =	strace $0x80000047;
	s8 =	sshrl.u32 s7, $0x1  }
0x7: {  	s31 =	sshll.u32 s2, $0x8;
	s6 =	sshll.u32 s6, $0x7;
	s7 =	ssub.s32 s7, s8  }
0x8: {  	s6 =	sor.u32 s6, s31;
	s8 =	simm.s32 $0x1;
	s7 =	smax.u32 s7, $0x1  }
.LBB2_1:
0x9: {  	[tilespmem:s1], [sflag:$0x1] =	stream.linear.gather [hbm4b:s3+s1], $0x19000, $0x38;
	[tilespmem:$0x1C900] =	vst v63  }
0xa: {  	_ =	swait.ge [sflag:s8], $0x19000  }
0xb: {  	[sflag:s8] =	ssyncset.done $0x0  }
0xc: {  	s12 =	simm.s32 $0x0;
	[sflag:s8] =	ssyncadd.s32 $0xFFFE7000  }
.LBB2_2:
0xd: {  	s13 =	sshll.u32 s12, $0x5  }
0xe: {  	s13 =	sadd.s32 s6, s13  }
0xf: {  	s14 =	smul.u32 $0x19, s13;
	_ =	sdelay $0x1  }
0x10: {  	s15 =	sadd.s32 s4, s14;
	s14 =	simm.s32 $0x0  }
0x11: {  	[tilespmem:s9], [sflag:$0x1] =	stream.linear.gather [hbm4b:s15+s14], $0x1900, $0x38;
	[tilespmem:$0x1C900] =	vst v63  }
0x12: {  	_ =	swait.ge [sflag:s8], $0x1900  }
0x13: {  	s16 =	simm.s32 $0x0;
	[sflag:s8] =	ssyncset.done $0x0  }
0x14: {  	s17 =	simm.s32 $0x0;
	s15 =	simm.s32 $0x19060;
	[sflag:s8] =	ssyncadd.s32 $0xFFFFE700  }
.LBB2_3:
0x15: {  	v0 =	vld [tilespmem:s15+$0xFFFFFFA0];
	_ =	sdelay $0x7  }
0x16: {  	v0 =	vld.idx.msk [tilespmem:v0+s1+$0x0], $0xffff;
	_ =	sdelay $0x2  }
0x17: {  	s18 =	sand.u32 $0x1800, s14;
	s19 =	sand.u32 $0x380, s16  }
0x18: {  	s18 =	sor.u32 s19, s18  }
0x19: {  	[tilespmem:s18+$0x1A900] =	vst v0  }
0x1a: {  	v0 =	vld [tilespmem:s15+$0xFFFFFFB0];
	_ =	sdelay $0x7  }
0x1b: {  	v0 =	vld.idx.msk [tilespmem:v0+s1+$0x0], $0xffff;
	_ =	sdelay $0x3  }
0x1c: {  	s18 =	sadd.s32 $0x1A900, s18  }
0x1d: {  	[tilespmem:s18+$0x10] =	vst v0  }
0x1e: {  	v0 =	vld [tilespmem:s15+$0xFFFFFFC0];
	_ =	sdelay $0x7  }
0x1f: {  	v0 =	vld.idx.msk [tilespmem:v0+s1+$0x0], $0xffff;
	_ =	sdelay $0x4  }
0x20: {  	[tilespmem:s18+$0x20] =	vst v0  }
0x21: {  	v0 =	vld [tilespmem:s15+$0xFFFFFFD0];
	_ =	sdelay $0x7  }
0x22: {  	v0 =	vld.idx.msk [tilespmem:v0+s1+$0x0], $0xffff;
	_ =	sdelay $0x4  }
0x23: {  	[tilespmem:s18+$0x30] =	vst v0  }
0x24: {  	v0 =	vld [tilespmem:s15+$0xFFFFFFE0];
	_ =	sdelay $0x7  }
0x25: {  	v0 =	vld.idx.msk [tilespmem:v0+s1+$0x0], $0xffff;
	_ =	sdelay $0x4  }
0x26: {  	[tilespmem:s18+$0x40] =	vst v0  }
0x27: {  	v0 =	vld [tilespmem:s15+$0xFFFFFFF0];
	_ =	sdelay $0x7  }
0x28: {  	v0 =	vld.idx.msk [tilespmem:v0+s1+$0x0], $0xffff;
	_ =	sdelay $0x4  }
0x29: {  	[tilespmem:s18+$0x50] =	vst v0  }
0x2a: {  	v0 =	vld [tilespmem:s15+$0x0];
	_ =	sdelay $0x7  }
0x2b: {  	v0 =	vld.idx.msk [tilespmem:v0+s1+$0x0], $0xffff;
	_ =	sdelay $0x4  }
0x2c: {  	[tilespmem:s18+$0x60] =	vst v0  }
0x2d: {  	v0 =	vld [tilespmem:s15+$0x10];
	_ =	sdelay $0x7  }
0x2e: {  	v0 =	vld.idx.msk [tilespmem:v0+s1+$0x0], $0xffff;
	_ =	sdelay $0x4  }
0x2f: {  	s31 =	sand.u32 $0x1FF8, s17;
	[tilespmem:s18+$0x70] =	vst v0  }
0x30: {  	v0 =	vld [tilespmem:s31+$0x19080];
	_ =	sdelay $0x7  }
0x31: {  	v0 =	vld.idx.msk [tilespmem:v0+s1+$0x0], $0xffff;
	_ =	sdelay $0x4  }
0x32: {  	[tilespmem:s18+$0x400] =	vst v0  }
0x33: {  	v0 =	vld [tilespmem:s15+$0x30];
	_ =	sdelay $0x7  }
0x34: {  	v0 =	vld.idx.msk [tilespmem:v0+s1+$0x0], $0xffff;
	_ =	sdelay $0x4  }
0x35: {  	[tilespmem:s18+$0x410] =	vst v0  }
0x36: {  	v0 =	vld [tilespmem:s15+$0x40];
	_ =	sdelay $0x7  }
0x37: {  	v0 =	vld.idx.msk [tilespmem:v0+s1+$0x0], $0xffff;
	_ =	sdelay $0x4  }
0x38: {  	[tilespmem:s18+$0x420] =	vst v0  }
0x39: {  	v0 =	vld [tilespmem:s15+$0x50];
	_ =	sdelay $0x7  }
0x3a: {  	v0 =	vld.idx.msk [tilespmem:v0+s1+$0x0], $0xffff;
	_ =	sdelay $0x4  }
0x3b: {  	[tilespmem:s18+$0x430] =	vst v0  }
0x3c: {  	v0 =	vld [tilespmem:s15+$0x58];
	_ =	sdelay $0x7  }
0x3d: {  	p0 =	sne.s32 s17, $0x1838;
	v0 =	vld.idx.msk [tilespmem:v0+s1+$0x0], $0xffff  }
.Ltmp0:
0x3e: {  	_ = 	snop;
	(pc) =	sbr.rel @p0 .LBB2_3-.Ltmp0, $3  }
0x3f: {  	_ =	sdelay $0x1  }
0x40: {  	s16 =	sadd.s32 $0x80, s16  }
0x41: {  	s14 =	sadd.s32 $0x100, s14;
	s17 =	sadd.s32 $0xC8, s17;
	s15 =	sadd.s32 $0xC8, s15;
	[tilespmem:s18+$0x438] =	vst v0  }
0x42: {  	s12 =	sadd.s32 $0x1, s12  }
0x43: {  	s13 =	sshll.u32 s13, $0x5;
	p0 =	sne.s32 s12, $0x4  }
.Ltmp1:
0x44: {  	s13 =	sadd.s32 s5, s13;
	(pc) =	sbr.rel @p0 .LBB2_2-.Ltmp1, $4  }
0x45: {  	[hbm4b:s13+s1] =	stream.linear.scatter [tilespmem:s10], [sflag:$0x1], $0x2000, $0x38;
	[tilespmem:$0x1C900] =	vst v63  }
0x46: {  	_ =	swait.ge [sflag:s8], $0x2000  }
0x47: {  	[sflag:s8] =	ssyncset.done $0x0  }
0x48: {  	[sflag:s8] =	ssyncadd.s32 $0xFFFFE000  }
0x49: {  	s11 =	sadd.s32 $0x1, s11  }
0x4a: {  	p0 =	sne.s32 s11, s7  }
.Ltmp2:
0x4b: {  	_ = 	snop;
	(pc) =	sbr.rel @p0 .LBB2_1-.Ltmp2, $1  }
0x4c: {  	_ =	sdelay $0x3  }
0x4d: {  	_ =	sfence.sel $0x180000  }
0x4e: {  	[bflag:$0x0] =	sbarrier.arrive $0xFFFF  }
0x4f: {  	p0 =	sne.s32 s2, $0x0;
	_ =	strace $0x90000047  }
0x50: {  	s0 =	sadd.s32 @!p0 $0x100000, s0;
	[bflag:$0x2] =	sbarrier.arrive $0xFFFF  }
0x51: {  	[sflag:s0] =	ssyncadd.tile.s32 @!p0 $0x1;
	_ =	shalt  }
.Lfunc_end2:
_tile_overlayer_lowered:
.L_overlay_start_2:
0x52: {  	(tag) =	ssettag $0x2  }
0x53: {  	s0 =	rddreg [dreg:$0x0];
	s2 =	stileid.u32  }
0x54: {  	s1 =	rddreg [dreg:$0x1];
	p0 =	sne.s32 s2, $0x0  }
0x55: {  	s3 =	rddreg [dreg:$0x2];
	[bflag:$0x3] =	sbarrier.arrive $0xFFFF;
	s2 =	simm.s32 @!p0 $0x1C01  }
0x56: {  	[timem:s3], [sflag:s2] =	dma.local @!p0 [hbm:s0], s1  }
0x57: {  	s0 =	simm.s32 @!p0 $0x1  }
0x58: {  	_ =	swait.ge @!p0 [sflag:s0], s1  }
0x59: {  	s1 =	ssub.s32 @!p0 $0x0, s1;
	[sflag:s0] =	ssyncset.done @!p0 $0x0  }
0x5a: {  	[sflag:s0] =	ssyncadd.s32 @!p0 s1  }
0x5b: {  	[bflag:$0x3] =	sbarrier.arrive $0xFFFF  }
0x5c: {  	_ =	shalt  }

</sc_bundles>
